<compile_context>
chip_gen: v7x
topology: tpu7x:2x2x1
jax: 0.10.2.dev20260603
libtpu: 0.0.44.dev20260713+nightly
codegen_flags: <defaults>
</compile_context>

<pallas_src>
import functools

import jax
import jax.numpy as jnp
from jax import lax
from jax.experimental import pallas as pl
from jax.experimental.pallas import tpu as pltpu
from jax.experimental.pallas import tpu_sc as plsc

N_CATEG = 26
NUM_CATS = 100
DIM = 128
BATCH = 16384
NON_CATEG = DIM - N_CATEG
OUT_D = NON_CATEG + N_CATEG * NUM_CATS
P_W = 32

L = 16
NC = 2
NS = 16
NW = NC * NS
ROWS_PER_W = BATCH // NW

RB = 1024


def _sc_positions_body(x_hbm, p_hbm, xv, pv):
    wid = lax.axis_index("s") * NC + lax.axis_index("c")
    iota = lax.iota(jnp.int32, L)
    mask_hi = iota < (N_CATEG - L)
    base = wid * ROWS_PER_W
    pltpu.sync_copy(x_hbm.at[pl.ds(base, ROWS_PER_W)], xv)

    def _row(r, _):
        rr = iota * 0 + r
        cat_lo = plsc.load_gather(xv, [rr, iota])
        cat_hi = plsc.load_gather(xv, [rr, iota + L])
        pos_lo = NON_CATEG + iota * NUM_CATS + cat_lo.astype(jnp.int32)
        pos_hi = NON_CATEG + (iota + L) * NUM_CATS + cat_hi.astype(jnp.int32)
        pos_hi = jnp.where(mask_hi, pos_hi, -1)
        plsc.store_scatter(pv, [rr, iota], pos_lo)
        plsc.store_scatter(pv, [rr, iota + L], pos_hi)
        return 0
    lax.fori_loop(0, ROWS_PER_W, _row, 0)

    pltpu.sync_copy(pv, p_hbm.at[pl.ds(base, ROWS_PER_W)])


def _tc_materialize_body(xt_ref, pt_ref, o_ref):
    o_ref[:NON_CATEG, :] = xt_ref[N_CATEG:, :]
    row2 = lax.broadcasted_iota(jnp.int32, (NUM_CATS, RB), 0)
    for i in range(N_CATEG):
        seg = (row2 + (NON_CATEG + i * NUM_CATS) == pt_ref[i:i + 1, :])
        o_ref[NON_CATEG + i * NUM_CATS:
              NON_CATEG + (i + 1) * NUM_CATS, :] = seg.astype(jnp.float32)


def kernel(X, emb_tables):
    del emb_tables
    mesh = plsc.VectorSubcoreMesh(core_axis_name="c", subcore_axis_name="s")
    sc_positions = functools.partial(
        pl.kernel,
        out_type=jax.ShapeDtypeStruct((BATCH, P_W), jnp.int32),
        mesh=mesh,
        compiler_params=pltpu.CompilerParams(needs_layout_passes=False),
        scratch_types=[
            pltpu.VMEM((ROWS_PER_W, DIM), jnp.float32),
            pltpu.VMEM((ROWS_PER_W, P_W), jnp.int32),
        ],
    )(_sc_positions_body)
    P = sc_positions(X)

    OT = pl.pallas_call(
        _tc_materialize_body,
        grid=(BATCH // RB,),
        in_specs=[pl.BlockSpec((DIM, RB), lambda i: (0, i)),
                  pl.BlockSpec((P_W, RB), lambda i: (0, i))],
        out_specs=pl.BlockSpec((OUT_D, RB), lambda i: (0, i)),
        out_shape=jax.ShapeDtypeStruct((OUT_D, BATCH), jnp.float32),
    )(X.T, P.T)
    return OT.T

# --- scband reference (transcript-rebuilt; emitter-appended) ---
"""Pipeline reference for scband-one-hot-36447092474338 (READ-ONLY COPY).

The authoritative reference and input builder live on the scoring server;
editing this copy changes nothing except your own understanding.
"""

import jax, jax.numpy as jnp
import numpy as np

N_CATEG = 26
NUM_CATS = 100
DIM = 128
BATCH = 16384

def setup_inputs(seed: int = 0) -> dict:
    key = jax.random.key(seed)
    k1, k2 = jax.random.split(key)
    X = jax.random.uniform(k1, (BATCH, DIM), dtype=jnp.float32)
    cats = jax.random.randint(k2, (BATCH, N_CATEG), 0, NUM_CATS).astype(jnp.float32)
    X = X.at[:, :N_CATEG].set(cats)
    # one eye(num_categories) embedding table per categorical feature, stacked
    emb_tables = jnp.stack([jnp.eye(NUM_CATS, dtype=jnp.float32) for _ in range(N_CATEG)], axis=0)
    return {"X": X, "emb_tables": emb_tables}

def reference(X, emb_tables):
    # OneHot.transform: gather one-hot rows per categorical index, then
    # concat [non-categorical columns, all one-hot embeddings]
    onehots = []
    for i in range(N_CATEG):
        idx = X[..., i].astype(jnp.int32)
        onehots.append(jnp.take(emb_tables[i], idx, axis=0))
    X_emb = jnp.concatenate(onehots, axis=-1)
    non_categ = X[..., N_CATEG:]
    return jnp.concatenate([non_categ, X_emb], axis=-1)

if __name__ == "__main__":
    import jax
    _d = setup_inputs()
    print(jax.jit(kernel)(*tuple(_d.values())))

</pallas_src>

<mosaic_0001>
#map = affine_map<(d0, d1) -> (0, 0)>
module attributes {stable_mosaic.version = 14 : i64} {
  func.func @_sc_positions_body(%arg0: i32, %arg1: i32, %arg2: memref<16384x128xf32, #tpu.memory_space<hbm>>, %arg3: memref<16384x32xi32, #tpu.memory_space<hbm>>, %arg4: memref<512x128xf32, #tpu.memory_space<vmem>>, %arg5: memref<512x32xi32, #tpu.memory_space<vmem>>) attributes {dimension_semantics = [#tpu.dimension_semantics<core_parallel>, #tpu.dimension_semantics<subcore_parallel>], iteration_bounds = array<i64: 2, 16>, scalar_prefetch = 0 : i64, scratch_operands = 2 : i64, tpu.core_type = #tpu.core_type<sc_vector_subcore>, window_params = [{transform_indices = #map}, {transform_indices = #map}]} {
    %mul3A = arith.constant 2 : i32
    %mul3A_0 = arith.muli %arg1, %mul3A : i32
    %add3A = arith.addi %mul3A_0, %arg0 : i32
    %iota3A = tpu.iota {dimensions = array<i32: 0>} : vector<16xi32>
    %lt3A = arith.constant 10 : i32
    %lt3A_1 = vector.broadcast %lt3A : i32 to vector<16xi32>
    %lt3A_2 = arith.cmpi slt, %iota3A, %lt3A_1 : vector<16xi32>
    %mul3A_3 = arith.constant 512 : i32
    %mul3A_4 = arith.muli %add3A, %mul3A_3 : i32
    "tpu.region"() ({
      %run_scoped3A = tpu.sem_alloc : memref<!tpu.dma_semaphore, #tpu.memory_space<semaphore_mem>>
      %dma_start3A = arith.constant 0 : i32
      %dma_start3A_11 = tpu.memref_slice %arg2[%mul3A_4, %dma_start3A] : memref<16384x128xf32, #tpu.memory_space<hbm>> -> memref<512x128xf32, #tpu.memory_space<hbm>>
      %dma_start3A_12 = arith.constant 0 : i32
      %dma_start3A_13 = tpu.memref_slice %arg2[%mul3A_4, %dma_start3A_12] : memref<16384x128xf32, #tpu.memory_space<hbm>> -> memref<512x128xf32, #tpu.memory_space<hbm>>
      tpu.enqueue_dma source(%dma_start3A_13 : memref<512x128xf32, #tpu.memory_space<hbm>>) target(%arg4 : memref<512x128xf32, #tpu.memory_space<vmem>>) target_semaphore(%run_scoped3A : memref<!tpu.dma_semaphore, #tpu.memory_space<semaphore_mem>>)
      %dma_wait3A = arith.constant 0 : i32
      %dma_wait3A_14 = tpu.memref_slice %arg2[%mul3A_4, %dma_wait3A] : memref<16384x128xf32, #tpu.memory_space<hbm>> -> memref<512x128xf32, #tpu.memory_space<hbm>>
      %dma_wait3A_15 = arith.constant 0 : i32
      %dma_wait3A_16 = tpu.memref_slice %arg2[%mul3A_4, %dma_wait3A_15] : memref<16384x128xf32, #tpu.memory_space<hbm>> -> memref<512x128xf32, #tpu.memory_space<hbm>>
      tpu.wait_dma2 semaphore(%run_scoped3A : memref<!tpu.dma_semaphore, #tpu.memory_space<semaphore_mem>>) src(%dma_wait3A_16 : memref<512x128xf32, #tpu.memory_space<hbm>>) dst(%arg4 : memref<512x128xf32, #tpu.memory_space<vmem>>)
      tpu.yield
    }) : () -> ()
    %scan3A = arith.constant 0 : i32
    %scan3A_5 = arith.constant 0 : i32
    %scan3A_6 = arith.constant 512 : i32
    %scan3A_7 = arith.addi %scan3A_5, %scan3A_6 : i32
    %scan3A_8 = arith.constant 1 : i32
    %scan3A_9 = scf.for %scan3A_11 = %scan3A_5 to %scan3A_7 step %scan3A_8 iter_args(%scan3A_12 = %scan3A) -> (i32)  : i32 {
      %mul3A_13 = arith.constant 0 : i32
      %mul3A_14 = vector.broadcast %mul3A_13 : i32 to vector<16xi32>
      %mul3A_15 = arith.muli %iota3A, %mul3A_14 : vector<16xi32>
      %add3A_16 = vector.broadcast %scan3A_11 : i32 to vector<16xi32>
      %add3A_17 = arith.addi %mul3A_15, %add3A_16 : vector<16xi32>
      %gather3A = tpu.vector_load_idx %arg4[%add3A_17, %iota3A] : memref<512x128xf32, #tpu.memory_space<vmem>>[vector<16xi32>, vector<16xi32>], vector<16xf32>,
      %add3A_18 = arith.constant 16 : i32
      %add3A_19 = vector.broadcast %add3A_18 : i32 to vector<16xi32>
      %add3A_20 = arith.addi %iota3A, %add3A_19 : vector<16xi32>
      %gather3A_21 = tpu.vector_load_idx %arg4[%add3A_17, %add3A_20] : memref<512x128xf32, #tpu.memory_space<vmem>>[vector<16xi32>, vector<16xi32>], vector<16xf32>,
      %mul3A_22 = arith.constant 100 : i32
      %mul3A_23 = vector.broadcast %mul3A_22 : i32 to vector<16xi32>
      %mul3A_24 = arith.muli %iota3A, %mul3A_23 : vector<16xi32>
      %add3A_25 = arith.constant 102 : i32
      %add3A_26 = vector.broadcast %add3A_25 : i32 to vector<16xi32>
      %add3A_27 = arith.addi %add3A_26, %mul3A_24 : vector<16xi32>
      %convert_element_type3A = arith.fptosi %gather3A : vector<16xf32> to vector<16xi32>
      %add3A_28 = arith.addi %add3A_27, %convert_element_type3A : vector<16xi32>
      %add3A_29 = arith.constant 16 : i32
      %add3A_30 = vector.broadcast %add3A_29 : i32 to vector<16xi32>
      %add3A_31 = arith.addi %iota3A, %add3A_30 : vector<16xi32>
      %mul3A_32 = arith.constant 100 : i32
      %mul3A_33 = vector.broadcast %mul3A_32 : i32 to vector<16xi32>
      %mul3A_34 = arith.muli %add3A_31, %mul3A_33 : vector<16xi32>
      %add3A_35 = arith.constant 102 : i32
      %add3A_36 = vector.broadcast %add3A_35 : i32 to vector<16xi32>
      %add3A_37 = arith.addi %add3A_36, %mul3A_34 : vector<16xi32>
      %convert_element_type3A_38 = arith.fptosi %gather3A_21 : vector<16xf32> to vector<16xi32>
      %add3A_39 = arith.addi %add3A_37, %convert_element_type3A_38 : vector<16xi32>
      %jit3A = arith.constant -1 : i32
      %broadcast_in_dim3A = vector.broadcast %jit3A : i32 to vector<16xi32>
      %select_n3A = arith.select %lt3A_2, %add3A_39, %broadcast_in_dim3A : vector<16xi1>, vector<16xi32>
      tpu.vector_store_idx %arg5[%add3A_17, %iota3A], %add3A_28 : memref<512x32xi32, #tpu.memory_space<vmem>>[vector<16xi32>, vector<16xi32>], vector<16xi32>,
      %add3A_40 = arith.constant 16 : i32
      %add3A_41 = vector.broadcast %add3A_40 : i32 to vector<16xi32>
      %add3A_42 = arith.addi %iota3A, %add3A_41 : vector<16xi32>
      tpu.vector_store_idx %arg5[%add3A_17, %add3A_42], %select_n3A : memref<512x32xi32, #tpu.memory_space<vmem>>[vector<16xi32>, vector<16xi32>], vector<16xi32>,
      %scan3A_43 = arith.constant 0 : i32
      scf.yield %scan3A_43 : i32
    }
    %scan3A_10 = arith.constant 512 : i32
    "tpu.region"() ({
      %run_scoped3A = tpu.sem_alloc : memref<!tpu.dma_semaphore, #tpu.memory_space<semaphore_mem>>
      %dma_start3A = arith.constant 0 : i32
      %dma_start3A_11 = tpu.memref_slice %arg3[%mul3A_4, %dma_start3A] : memref<16384x32xi32, #tpu.memory_space<hbm>> -> memref<512x32xi32, #tpu.memory_space<hbm>>
      %dma_start3A_12 = arith.constant 0 : i32
      %dma_start3A_13 = tpu.memref_slice %arg3[%mul3A_4, %dma_start3A_12] : memref<16384x32xi32, #tpu.memory_space<hbm>> -> memref<512x32xi32, #tpu.memory_space<hbm>>
      tpu.enqueue_dma source(%arg5 : memref<512x32xi32, #tpu.memory_space<vmem>>) target(%dma_start3A_13 : memref<512x32xi32, #tpu.memory_space<hbm>>) target_semaphore(%run_scoped3A : memref<!tpu.dma_semaphore, #tpu.memory_space<semaphore_mem>>)
      %dma_wait3A = arith.constant 0 : i32
      %dma_wait3A_14 = tpu.memref_slice %arg3[%mul3A_4, %dma_wait3A] : memref<16384x32xi32, #tpu.memory_space<hbm>> -> memref<512x32xi32, #tpu.memory_space<hbm>>
      %dma_wait3A_15 = arith.constant 0 : i32
      %dma_wait3A_16 = tpu.memref_slice %arg3[%mul3A_4, %dma_wait3A_15] : memref<16384x32xi32, #tpu.memory_space<hbm>> -> memref<512x32xi32, #tpu.memory_space<hbm>>
      tpu.wait_dma2 semaphore(%run_scoped3A : memref<!tpu.dma_semaphore, #tpu.memory_space<semaphore_mem>>) src(%arg5 : memref<512x32xi32, #tpu.memory_space<vmem>>) dst(%dma_wait3A_16 : memref<512x32xi32, #tpu.memory_space<hbm>>)
      tpu.yield
    }) : () -> ()
    return
  }
}

module attributes {stable_mosaic.version = 14 : i64} {
  func.func @_tc_materialize_body(%arg0: i32, %arg1: memref<128x1024xf32, #tpu.memory_space<vmem>>, %arg2: memref<32x1024xi32, #tpu.memory_space<vmem>>, %arg3: memref<2702x1024xf32, #tpu.memory_space<vmem>>) attributes {dimension_semantics = [#tpu.dimension_semantics<arbitrary>], iteration_bounds = array<i64: 16>, scalar_prefetch = 0 : i64, scratch_operands = 0 : i64, tpu.core_type = #tpu.core_type<tc>, window_params = [{transform_indices = @transform_0, window_bounds = array<i64: 128, 1024>}, {transform_indices = @transform_1, window_bounds = array<i64: 32, 1024>}, {transform_indices = @transform_2, window_bounds = array<i64: 2702, 1024>}]} {
    %get3A = arith.constant 26 : index
    %get3A_0 = arith.constant 0 : index
    %get3A_1 = vector.load %arg1[%get3A, %get3A_0] : memref<128x1024xf32, #tpu.memory_space<vmem>>, vector<102x1024xf32>
    %swap3A = arith.constant 0 : index
    %swap3A_2 = arith.constant 0 : index
    %swap3A_3 = vector.load %arg3[%swap3A, %swap3A_2] : memref<2702x1024xf32, #tpu.memory_space<vmem>>, vector<102x1024xf32>
    tpu.vector_store %arg3[%swap3A, %swap3A_2], %get3A_1 {strides = array<i32>} : memref<2702x1024xf32, #tpu.memory_space<vmem>>, vector<102x1024xf32>,
    %iota3A = tpu.iota {dimensions = array<i32: 0>} : vector<100x1024xi32>
    %add3A = arith.constant 102 : i32
    %add3A_4 = vector.broadcast %add3A : i32 to vector<100x1024xi32>
    %add3A_5 = arith.addi %iota3A, %add3A_4 : vector<100x1024xi32>
    %get3A_6 = arith.constant 0 : index
    %get3A_7 = arith.constant 0 : index
    %get3A_8 = vector.load %arg2[%get3A_6, %get3A_7] : memref<32x1024xi32, #tpu.memory_space<vmem>>, vector<1x1024xi32>
    %eq3A = vector.broadcast %get3A_8 : vector<1x1024xi32> to vector<100x1024xi32>
    %eq3A_9 = arith.cmpi eq, %add3A_5, %eq3A : vector<100x1024xi32>
    %convert_element_type3A = arith.extui %eq3A_9 : vector<100x1024xi1> to vector<100x1024xi32>
    %convert_element_type3A_10 = arith.sitofp %convert_element_type3A : vector<100x1024xi32> to vector<100x1024xf32>
    %swap3A_11 = arith.constant 102 : index
    %swap3A_12 = arith.constant 0 : index
    %swap3A_13 = vector.load %arg3[%swap3A_11, %swap3A_12] : memref<2702x1024xf32, #tpu.memory_space<vmem>>, vector<100x1024xf32>
    tpu.vector_store %arg3[%swap3A_11, %swap3A_12], %convert_element_type3A_10 {strides = array<i32>} : memref<2702x1024xf32, #tpu.memory_space<vmem>>, vector<100x1024xf32>,
    %add3A_14 = arith.constant 202 : i32
    %add3A_15 = vector.broadcast %add3A_14 : i32 to vector<100x1024xi32>
    %add3A_16 = arith.addi %iota3A, %add3A_15 : vector<100x1024xi32>
    %get3A_17 = arith.constant 1 : index
    %get3A_18 = arith.constant 0 : index
    %get3A_19 = vector.load %arg2[%get3A_17, %get3A_18] : memref<32x1024xi32, #tpu.memory_space<vmem>>, vector<1x1024xi32>
    %eq3A_20 = vector.broadcast %get3A_19 : vector<1x1024xi32> to vector<100x1024xi32>
    %eq3A_21 = arith.cmpi eq, %add3A_16, %eq3A_20 : vector<100x1024xi32>
    %convert_element_type3A_22 = arith.extui %eq3A_21 : vector<100x1024xi1> to vector<100x1024xi32>
    %convert_element_type3A_23 = arith.sitofp %convert_element_type3A_22 : vector<100x1024xi32> to vector<100x1024xf32>
    %swap3A_24 = arith.constant 202 : index
    %swap3A_25 = arith.constant 0 : index
    %swap3A_26 = vector.load %arg3[%swap3A_24, %swap3A_25] : memref<2702x1024xf32, #tpu.memory_space<vmem>>, vector<100x1024xf32>
    tpu.vector_store %arg3[%swap3A_24, %swap3A_25], %convert_element_type3A_23 {strides = array<i32>} : memref<2702x1024xf32, #tpu.memory_space<vmem>>, vector<100x1024xf32>,
    %add3A_27 = arith.constant 302 : i32
    %add3A_28 = vector.broadcast %add3A_27 : i32 to vector<100x1024xi32>
    %add3A_29 = arith.addi %iota3A, %add3A_28 : vector<100x1024xi32>
    %get3A_30 = arith.constant 2 : index
    %get3A_31 = arith.constant 0 : index
    %get3A_32 = vector.load %arg2[%get3A_30, %get3A_31] : memref<32x1024xi32, #tpu.memory_space<vmem>>, vector<1x1024xi32>
    %eq3A_33 = vector.broadcast %get3A_32 : vector<1x1024xi32> to vector<100x1024xi32>
    %eq3A_34 = arith.cmpi eq, %add3A_29, %eq3A_33 : vector<100x1024xi32>
    %convert_element_type3A_35 = arith.extui %eq3A_34 : vector<100x1024xi1> to vector<100x1024xi32>
    %convert_element_type3A_36 = arith.sitofp %convert_element_type3A_35 : vector<100x1024xi32> to vector<100x1024xf32>
    %swap3A_37 = arith.constant 302 : index
    %swap3A_38 = arith.constant 0 : index
    %swap3A_39 = vector.load %arg3[%swap3A_37, %swap3A_38] : memref<2702x1024xf32, #tpu.memory_space<vmem>>, vector<100x1024xf32>
    tpu.vector_store %arg3[%swap3A_37, %swap3A_38], %convert_element_type3A_36 {strides = array<i32>} : memref<2702x1024xf32, #tpu.memory_space<vmem>>, vector<100x1024xf32>,
    %add3A_40 = arith.constant 402 : i32
    %add3A_41 = vector.broadcast %add3A_40 : i32 to vector<100x1024xi32>
    %add3A_42 = arith.addi %iota3A, %add3A_41 : vector<100x1024xi32>
    %get3A_43 = arith.constant 3 : index
    %get3A_44 = arith.constant 0 : index
    %get3A_45 = vector.load %arg2[%get3A_43, %get3A_44] : memref<32x1024xi32, #tpu.memory_space<vmem>>, vector<1x1024xi32>
    %eq3A_46 = vector.broadcast %get3A_45 : vector<1x1024xi32> to vector<100x1024xi32>
    %eq3A_47 = arith.cmpi eq, %add3A_42, %eq3A_46 : vector<100x1024xi32>
    %convert_element_type3A_48 = arith.extui %eq3A_47 : vector<100x1024xi1> to vector<100x1024xi32>
    %convert_element_type3A_49 = arith.sitofp %convert_element_type3A_48 : vector<100x1024xi32> to vector<100x1024xf32>
    %swap3A_50 = arith.constant 402 : index
    %swap3A_51 = arith.constant 0 : index
    %swap3A_52 = vector.load %arg3[%swap3A_50, %swap3A_51] : memref<2702x1024xf32, #tpu.memory_space<vmem>>, vector<100x1024xf32>
    tpu.vector_store %arg3[%swap3A_50, %swap3A_51], %convert_element_type3A_49 {strides = array<i32>} : memref<2702x1024xf32, #tpu.memory_space<vmem>>, vector<100x1024xf32>,
    %add3A_53 = arith.constant 502 : i32
    %add3A_54 = vector.broadcast %add3A_53 : i32 to vector<100x1024xi32>
    %add3A_55 = arith.addi %iota3A, %add3A_54 : vector<100x1024xi32>
    %get3A_56 = arith.constant 4 : index
    %get3A_57 = arith.constant 0 : index
    %get3A_58 = vector.load %arg2[%get3A_56, %get3A_57] : memref<32x1024xi32, #tpu.memory_space<vmem>>, vector<1x1024xi32>
    %eq3A_59 = vector.broadcast %get3A_58 : vector<1x1024xi32> to vector<100x1024xi32>
    %eq3A_60 = arith.cmpi eq, %add3A_55, %eq3A_59 : vector<100x1024xi32>
    %convert_element_type3A_61 = arith.extui %eq3A_60 : vector<100x1024xi1> to vector<100x1024xi32>
    %convert_element_type3A_62 = arith.sitofp %convert_element_type3A_61 : vector<100x1024xi32> to vector<100x1024xf32>
    %swap3A_63 = arith.constant 502 : index
    %swap3A_64 = arith.constant 0 : index
    %swap3A_65 = vector.load %arg3[%swap3A_63, %swap3A_64] : memref<2702x1024xf32, #tpu.memory_space<vmem>>, vector<100x1024xf32>
    tpu.vector_store %arg3[%swap3A_63, %swap3A_64], %convert_element_type3A_62 {strides = array<i32>} : memref<2702x1024xf32, #tpu.memory_space<vmem>>, vector<100x1024xf32>,
    %add3A_66 = arith.constant 602 : i32
    %add3A_67 = vector.broadcast %add3A_66 : i32 to vector<100x1024xi32>
    %add3A_68 = arith.addi %iota3A, %add3A_67 : vector<100x1024xi32>
    %get3A_69 = arith.constant 5 : index
    %get3A_70 = arith.constant 0 : index
    %get3A_71 = vector.load %arg2[%get3A_69, %get3A_70] : memref<32x1024xi32, #tpu.memory_space<vmem>>, vector<1x1024xi32>
    %eq3A_72 = vector.broadcast %get3A_71 : vector<1x1024xi32> to vector<100x1024xi32>
    %eq3A_73 = arith.cmpi eq, %add3A_68, %eq3A_72 : vector<100x1024xi32>
    %convert_element_type3A_74 = arith.extui %eq3A_73 : vector<100x1024xi1> to vector<100x1024xi32>
    %convert_element_type3A_75 = arith.sitofp %convert_element_type3A_74 : vector<100x1024xi32> to vector<100x1024xf32>
    %swap3A_76 = arith.constant 602 : index
    %swap3A_77 = arith.constant 0 : index
    %swap3A_78 = vector.load %arg3[%swap3A_76, %swap3A_77] : memref<2702x1024xf32, #tpu.memory_space<vmem>>, vector<100x1024xf32>
    tpu.vector_store %arg3[%swap3A_76, %swap3A_77], %convert_element_type3A_75 {strides = array<i32>} : memref<2702x1024xf32, #tpu.memory_space<vmem>>, vector<100x1024xf32>,
    %add3A_79 = arith.constant 702 : i32
    %add3A_80 = vector.broadcast %add3A_79 : i32 to vector<100x1024xi32>
    %add3A_81 = arith.addi %iota3A, %add3A_80 : vector<100x1024xi32>
    %get3A_82 = arith.constant 6 : index
    %get3A_83 = arith.constant 0 : index
    %get3A_84 = vector.load %arg2[%get3A_82, %get3A_83] : memref<32x1024xi32, #tpu.memory_space<vmem>>, vector<1x1024xi32>
    %eq3A_85 = vector.broadcast %get3A_84 : vector<1x1024xi32> to vector<100x1024xi32>
    %eq3A_86 = arith.cmpi eq, %add3A_81, %eq3A_85 : vector<100x1024xi32>
    %convert_element_type3A_87 = arith.extui %eq3A_86 : vector<100x1024xi1> to vector<100x1024xi32>
    %convert_element_type3A_88 = arith.sitofp %convert_element_type3A_87 : vector<100x1024xi32> to vector<100x1024xf32>
    %swap3A_89 = arith.constant 702 : index
    %swap3A_90 = arith.constant 0 : index
    %swap3A_91 = vector.load %arg3[%swap3A_89, %swap3A_90] : memref<2702x1024xf32, #tpu.memory_space<vmem>>, vector<100x1024xf32>
    tpu.vector_store %arg3[%swap3A_89, %swap3A_90], %convert_element_type3A_88 {strides = array<i32>} : memref<2702x1024xf32, #tpu.memory_space<vmem>>, vector<100x1024xf32>,
    %add3A_92 = arith.constant 802 : i32
    %add3A_93 = vector.broadcast %add3A_92 : i32 to vector<100x1024xi32>
    %add3A_94 = arith.addi %iota3A, %add3A_93 : vector<100x1024xi32>
    %get3A_95 = arith.constant 7 : index
    %get3A_96 = arith.constant 0 : index
    %get3A_97 = vector.load %arg2[%get3A_95, %get3A_96] : memref<32x1024xi32, #tpu.memory_space<vmem>>, vector<1x1024xi32>
    %eq3A_98 = vector.broadcast %get3A_97 : vector<1x1024xi32> to vector<100x1024xi32>
    %eq3A_99 = arith.cmpi eq, %add3A_94, %eq3A_98 : vector<100x1024xi32>
    %convert_element_type3A_100 = arith.extui %eq3A_99 : vector<100x1024xi1> to vector<100x1024xi32>
    %convert_element_type3A_101 = arith.sitofp %convert_element_type3A_100 : vector<100x1024xi32> to vector<100x1024xf32>
    %swap3A_102 = arith.constant 802 : index
    %swap3A_103 = arith.constant 0 : index
    %swap3A_104 = vector.load %arg3[%swap3A_102, %swap3A_103] : memref<2702x1024xf32, #tpu.memory_space<vmem>>, vector<100x1024xf32>
    tpu.vector_store %arg3[%swap3A_102, %swap3A_103], %convert_element_type3A_101 {strides = array<i32>} : memref<2702x1024xf32, #tpu.memory_space<vmem>>, vector<100x1024xf32>,
    %add3A_105 = arith.constant 902 : i32
    %add3A_106 = vector.broadcast %add3A_105 : i32 to vector<100x1024xi32>
    %add3A_107 = arith.addi %iota3A, %add3A_106 : vector<100x1024xi32>
    %get3A_108 = arith.constant 8 : index
    %get3A_109 = arith.constant 0 : index
    %get3A_110 = vector.load %arg2[%get3A_108, %get3A_109] : memref<32x1024xi32, #tpu.memory_space<vmem>>, vector<1x1024xi32>
    %eq3A_111 = vector.broadcast %get3A_110 : vector<1x1024xi32> to vector<100x1024xi32>
    %eq3A_112 = arith.cmpi eq, %add3A_107, %eq3A_111 : vector<100x1024xi32>
    %convert_element_type3A_113 = arith.extui %eq3A_112 : vector<100x1024xi1> to vector<100x1024xi32>
    %convert_element_type3A_114 = arith.sitofp %convert_element_type3A_113 : vector<100x1024xi32> to vector<100x1024xf32>
    %swap3A_115 = arith.constant 902 : index
    %swap3A_116 = arith.constant 0 : index
    %swap3A_117 = vector.load %arg3[%swap3A_115, %swap3A_116] : memref<2702x1024xf32, #tpu.memory_space<vmem>>, vector<100x1024xf32>
    tpu.vector_store %arg3[%swap3A_115, %swap3A_116], %convert_element_type3A_114 {strides = array<i32>} : memref<2702x1024xf32, #tpu.memory_space<vmem>>, vector<100x1024xf32>,
    %add3A_118 = arith.constant 1002 : i32
    %add3A_119 = vector.broadcast %add3A_118 : i32 to vector<100x1024xi32>
    %add3A_120 = arith.addi %iota3A, %add3A_119 : vector<100x1024xi32>
    %get3A_121 = arith.constant 9 : index
    %get3A_122 = arith.constant 0 : index
    %get3A_123 = vector.load %arg2[%get3A_121, %get3A_122] : memref<32x1024xi32, #tpu.memory_space<vmem>>, vector<1x1024xi32>
    %eq3A_124 = vector.broadcast %get3A_123 : vector<1x1024xi32> to vector<100x1024xi32>
    %eq3A_125 = arith.cmpi eq, %add3A_120, %eq3A_124 : vector<100x1024xi32>
    %convert_element_type3A_126 = arith.extui %eq3A_125 : vector<100x1024xi1> to vector<100x1024xi32>
    %convert_element_type3A_127 = arith.sitofp %convert_element_type3A_126 : vector<100x1024xi32> to vector<100x1024xf32>
    %swap3A_128 = arith.constant 1002 : index
    %swap3A_129 = arith.constant 0 : index
    %swap3A_130 = vector.load %arg3[%swap3A_128, %swap3A_129] : memref<2702x1024xf32, #tpu.memory_space<vmem>>, vector<100x1024xf32>
    tpu.vector_store %arg3[%swap3A_128, %swap3A_129], %convert_element_type3A_127 {strides = array<i32>} : memref<2702x1024xf32, #tpu.memory_space<vmem>>, vector<100x1024xf32>,
    %add3A_131 = arith.constant 1102 : i32
    %add3A_132 = vector.broadcast %add3A_131 : i32 to vector<100x1024xi32>
    %add3A_133 = arith.addi %iota3A, %add3A_132 : vector<100x1024xi32>
    %get3A_134 = arith.constant 10 : index
    %get3A_135 = arith.constant 0 : index
    %get3A_136 = vector.load %arg2[%get3A_134, %get3A_135] : memref<32x1024xi32, #tpu.memory_space<vmem>>, vector<1x1024xi32>
    %eq3A_137 = vector.broadcast %get3A_136 : vector<1x1024xi32> to vector<100x1024xi32>
    %eq3A_138 = arith.cmpi eq, %add3A_133, %eq3A_137 : vector<100x1024xi32>
    %convert_element_type3A_139 = arith.extui %eq3A_138 : vector<100x1024xi1> to vector<100x1024xi32>
    %convert_element_type3A_140 = arith.sitofp %convert_element_type3A_139 : vector<100x1024xi32> to vector<100x1024xf32>
    %swap3A_141 = arith.constant 1102 : index
    %swap3A_142 = arith.constant 0 : index
    %swap3A_143 = vector.load %arg3[%swap3A_141, %swap3A_142] : memref<2702x1024xf32, #tpu.memory_space<vmem>>, vector<100x1024xf32>
    tpu.vector_store %arg3[%swap3A_141, %swap3A_142], %convert_element_type3A_140 {strides = array<i32>} : memref<2702x1024xf32, #tpu.memory_space<vmem>>, vector<100x1024xf32>,
    %add3A_144 = arith.constant 1202 : i32
    %add3A_145 = vector.broadcast %add3A_144 : i32 to vector<100x1024xi32>
    %add3A_146 = arith.addi %iota3A, %add3A_145 : vector<100x1024xi32>
    %get3A_147 = arith.constant 11 : index
    %get3A_148 = arith.constant 0 : index
    %get3A_149 = vector.load %arg2[%get3A_147, %get3A_148] : memref<32x1024xi32, #tpu.memory_space<vmem>>, vector<1x1024xi32>
    %eq3A_150 = vector.broadcast %get3A_149 : vector<1x1024xi32> to vector<100x1024xi32>
    %eq3A_151 = arith.cmpi eq, %add3A_146, %eq3A_150 : vector<100x1024xi32>
    %convert_element_type3A_152 = arith.extui %eq3A_151 : vector<100x1024xi1> to vector<100x1024xi32>
    %convert_element_type3A_153 = arith.sitofp %convert_element_type3A_152 : vector<100x1024xi32> to vector<100x1024xf32>
    %swap3A_154 = arith.constant 1202 : index
    %swap3A_155 = arith.constant 0 : index
    %swap3A_156 = vector.load %arg3[%swap3A_154, %swap3A_155] : memref<2702x1024xf32, #tpu.memory_space<vmem>>, vector<100x1024xf32>
    tpu.vector_store %arg3[%swap3A_154, %swap3A_155], %convert_element_type3A_153 {strides = array<i32>} : memref<2702x1024xf32, #tpu.memory_space<vmem>>, vector<100x1024xf32>,
    %add3A_157 = arith.constant 1302 : i32
    %add3A_158 = vector.broadcast %add3A_157 : i32 to vector<100x1024xi32>
    %add3A_159 = arith.addi %iota3A, %add3A_158 : vector<100x1024xi32>
    %get3A_160 = arith.constant 12 : index
    %get3A_161 = arith.constant 0 : index
    %get3A_162 = vector.load %arg2[%get3A_160, %get3A_161] : memref<32x1024xi32, #tpu.memory_space<vmem>>, vector<1x1024xi32>
    %eq3A_163 = vector.broadcast %get3A_162 : vector<1x1024xi32> to vector<100x1024xi32>
    %eq3A_164 = arith.cmpi eq, %add3A_159, %eq3A_163 : vector<100x1024xi32>
    %convert_element_type3A_165 = arith.extui %eq3A_164 : vector<100x1024xi1> to vector<100x1024xi32>
    %convert_element_type3A_166 = arith.sitofp %convert_element_type3A_165 : vector<100x1024xi32> to vector<100x1024xf32>
    %swap3A_167 = arith.constant 1302 : index
    %swap3A_168 = arith.constant 0 : index
    %swap3A_169 = vector.load %arg3[%swap3A_167, %swap3A_168] : memref<2702x1024xf32, #tpu.memory_space<vmem>>, vector<100x1024xf32>
    tpu.vector_store %arg3[%swap3A_167, %swap3A_168], %convert_element_type3A_166 {strides = array<i32>} : memref<2702x1024xf32, #tpu.memory_space<vmem>>, vector<100x1024xf32>,
    %add3A_170 = arith.constant 1402 : i32
    %add3A_171 = vector.broadcast %add3A_170 : i32 to vector<100x1024xi32>
    %add3A_172 = arith.addi %iota3A, %add3A_171 : vector<100x1024xi32>
    %get3A_173 = arith.constant 13 : index
    %get3A_174 = arith.constant 0 : index
    %get3A_175 = vector.load %arg2[%get3A_173, %get3A_174] : memref<32x1024xi32, #tpu.memory_space<vmem>>, vector<1x1024xi32>
    %eq3A_176 = vector.broadcast %get3A_175 : vector<1x1024xi32> to vector<100x1024xi32>
    %eq3A_177 = arith.cmpi eq, %add3A_172, %eq3A_176 : vector<100x1024xi32>
    %convert_element_type3A_178 = arith.extui %eq3A_177 : vector<100x1024xi1> to vector<100x1024xi32>
    %convert_element_type3A_179 = arith.sitofp %convert_element_type3A_178 : vector<100x1024xi32> to vector<100x1024xf32>
    %swap3A_180 = arith.constant 1402 : index
    %swap3A_181 = arith.constant 0 : index
    %swap3A_182 = vector.load %arg3[%swap3A_180, %swap3A_181] : memref<2702x1024xf32, #tpu.memory_space<vmem>>, vector<100x1024xf32>
    tpu.vector_store %arg3[%swap3A_180, %swap3A_181], %convert_element_type3A_179 {strides = array<i32>} : memref<2702x1024xf32, #tpu.memory_space<vmem>>, vector<100x1024xf32>,
    %add3A_183 = arith.constant 1502 : i32
    %add3A_184 = vector.broadcast %add3A_183 : i32 to vector<100x1024xi32>
    %add3A_185 = arith.addi %iota3A, %add3A_184 : vector<100x1024xi32>
    %get3A_186 = arith.constant 14 : index
    %get3A_187 = arith.constant 0 : index
    %get3A_188 = vector.load %arg2[%get3A_186, %get3A_187] : memref<32x1024xi32, #tpu.memory_space<vmem>>, vector<1x1024xi32>
    %eq3A_189 = vector.broadcast %get3A_188 : vector<1x1024xi32> to vector<100x1024xi32>
    %eq3A_190 = arith.cmpi eq, %add3A_185, %eq3A_189 : vector<100x1024xi32>
    %convert_element_type3A_191 = arith.extui %eq3A_190 : vector<100x1024xi1> to vector<100x1024xi32>
    %convert_element_type3A_192 = arith.sitofp %convert_element_type3A_191 : vector<100x1024xi32> to vector<100x1024xf32>
    %swap3A_193 = arith.constant 1502 : index
    %swap3A_194 = arith.constant 0 : index
    %swap3A_195 = vector.load %arg3[%swap3A_193, %swap3A_194] : memref<2702x1024xf32, #tpu.memory_space<vmem>>, vector<100x1024xf32>
    tpu.vector_store %arg3[%swap3A_193, %swap3A_194], %convert_element_type3A_192 {strides = array<i32>} : memref<2702x1024xf32, #tpu.memory_space<vmem>>, vector<100x1024xf32>,
    %add3A_196 = arith.constant 1602 : i32
    %add3A_197 = vector.broadcast %add3A_196 : i32 to vector<100x1024xi32>
    %add3A_198 = arith.addi %iota3A, %add3A_197 : vector<100x1024xi32>
    %get3A_199 = arith.constant 15 : index
    %get3A_200 = arith.constant 0 : index
    %get3A_201 = vector.load %arg2[%get3A_199, %get3A_200] : memref<32x1024xi32, #tpu.memory_space<vmem>>, vector<1x1024xi32>
    %eq3A_202 = vector.broadcast %get3A_201 : vector<1x1024xi32> to vector<100x1024xi32>
    %eq3A_203 = arith.cmpi eq, %add3A_198, %eq3A_202 : vector<100x1024xi32>
    %convert_element_type3A_204 = arith.extui %eq3A_203 : vector<100x1024xi1> to vector<100x1024xi32>
    %convert_element_type3A_205 = arith.sitofp %convert_element_type3A_204 : vector<100x1024xi32> to vector<100x1024xf32>
    %swap3A_206 = arith.constant 1602 : index
    %swap3A_207 = arith.constant 0 : index
    %swap3A_208 = vector.load %arg3[%swap3A_206, %swap3A_207] : memref<2702x1024xf32, #tpu.memory_space<vmem>>, vector<100x1024xf32>
    tpu.vector_store %arg3[%swap3A_206, %swap3A_207], %convert_element_type3A_205 {strides = array<i32>} : memref<2702x1024xf32, #tpu.memory_space<vmem>>, vector<100x1024xf32>,
    %add3A_209 = arith.constant 1702 : i32
    %add3A_210 = vector.broadcast %add3A_209 : i32 to vector<100x1024xi32>
    %add3A_211 = arith.addi %iota3A, %add3A_210 : vector<100x1024xi32>
    %get3A_212 = arith.constant 16 : index
    %get3A_213 = arith.constant 0 : index
    %get3A_214 = vector.load %arg2[%get3A_212, %get3A_213] : memref<32x1024xi32, #tpu.memory_space<vmem>>, vector<1x1024xi32>
    %eq3A_215 = vector.broadcast %get3A_214 : vector<1x1024xi32> to vector<100x1024xi32>
    %eq3A_216 = arith.cmpi eq, %add3A_211, %eq3A_215 : vector<100x1024xi32>
    %convert_element_type3A_217 = arith.extui %eq3A_216 : vector<100x1024xi1> to vector<100x1024xi32>
    %convert_element_type3A_218 = arith.sitofp %convert_element_type3A_217 : vector<100x1024xi32> to vector<100x1024xf32>
    %swap3A_219 = arith.constant 1702 : index
    %swap3A_220 = arith.constant 0 : index
    %swap3A_221 = vector.load %arg3[%swap3A_219, %swap3A_220] : memref<2702x1024xf32, #tpu.memory_space<vmem>>, vector<100x1024xf32>
    tpu.vector_store %arg3[%swap3A_219, %swap3A_220], %convert_element_type3A_218 {strides = array<i32>} : memref<2702x1024xf32, #tpu.memory_space<vmem>>, vector<100x1024xf32>,
    %add3A_222 = arith.constant 1802 : i32
    %add3A_223 = vector.broadcast %add3A_222 : i32 to vector<100x1024xi32>
    %add3A_224 = arith.addi %iota3A, %add3A_223 : vector<100x1024xi32>
    %get3A_225 = arith.constant 17 : index
    %get3A_226 = arith.constant 0 : index
    %get3A_227 = vector.load %arg2[%get3A_225, %get3A_226] : memref<32x1024xi32, #tpu.memory_space<vmem>>, vector<1x1024xi32>
    %eq3A_228 = vector.broadcast %get3A_227 : vector<1x1024xi32> to vector<100x1024xi32>
    %eq3A_229 = arith.cmpi eq, %add3A_224, %eq3A_228 : vector<100x1024xi32>
    %convert_element_type3A_230 = arith.extui %eq3A_229 : vector<100x1024xi1> to vector<100x1024xi32>
    %convert_element_type3A_231 = arith.sitofp %convert_element_type3A_230 : vector<100x1024xi32> to vector<100x1024xf32>
    %swap3A_232 = arith.constant 1802 : index
    %swap3A_233 = arith.constant 0 : index
    %swap3A_234 = vector.load %arg3[%swap3A_232, %swap3A_233] : memref<2702x1024xf32, #tpu.memory_space<vmem>>, vector<100x1024xf32>
    tpu.vector_store %arg3[%swap3A_232, %swap3A_233], %convert_element_type3A_231 {strides = array<i32>} : memref<2702x1024xf32, #tpu.memory_space<vmem>>, vector<100x1024xf32>,
    %add3A_235 = arith.constant 1902 : i32
    %add3A_236 = vector.broadcast %add3A_235 : i32 to vector<100x1024xi32>
    %add3A_237 = arith.addi %iota3A, %add3A_236 : vector<100x1024xi32>
    %get3A_238 = arith.constant 18 : index
    %get3A_239 = arith.constant 0 : index
    %get3A_240 = vector.load %arg2[%get3A_238, %get3A_239] : memref<32x1024xi32, #tpu.memory_space<vmem>>, vector<1x1024xi32>
    %eq3A_241 = vector.broadcast %get3A_240 : vector<1x1024xi32> to vector<100x1024xi32>
    %eq3A_242 = arith.cmpi eq, %add3A_237, %eq3A_241 : vector<100x1024xi32>
    %convert_element_type3A_243 = arith.extui %eq3A_242 : vector<100x1024xi1> to vector<100x1024xi32>
    %convert_element_type3A_244 = arith.sitofp %convert_element_type3A_243 : vector<100x1024xi32> to vector<100x1024xf32>
    %swap3A_245 = arith.constant 1902 : index
    %swap3A_246 = arith.constant 0 : index
    %swap3A_247 = vector.load %arg3[%swap3A_245, %swap3A_246] : memref<2702x1024xf32, #tpu.memory_space<vmem>>, vector<100x1024xf32>
    tpu.vector_store %arg3[%swap3A_245, %swap3A_246], %convert_element_type3A_244 {strides = array<i32>} : memref<2702x1024xf32, #tpu.memory_space<vmem>>, vector<100x1024xf32>,
    %add3A_248 = arith.constant 2002 : i32
    %add3A_249 = vector.broadcast %add3A_248 : i32 to vector<100x1024xi32>
    %add3A_250 = arith.addi %iota3A, %add3A_249 : vector<100x1024xi32>
    %get3A_251 = arith.constant 19 : index
    %get3A_252 = arith.constant 0 : index
    %get3A_253 = vector.load %arg2[%get3A_251, %get3A_252] : memref<32x1024xi32, #tpu.memory_space<vmem>>, vector<1x1024xi32>
    %eq3A_254 = vector.broadcast %get3A_253 : vector<1x1024xi32> to vector<100x1024xi32>
    %eq3A_255 = arith.cmpi eq, %add3A_250, %eq3A_254 : vector<100x1024xi32>
    %convert_element_type3A_256 = arith.extui %eq3A_255 : vector<100x1024xi1> to vector<100x1024xi32>
    %convert_element_type3A_257 = arith.sitofp %convert_element_type3A_256 : vector<100x1024xi32> to vector<100x1024xf32>
    %swap3A_258 = arith.constant 2002 : index
    %swap3A_259 = arith.constant 0 : index
    %swap3A_260 = vector.load %arg3[%swap3A_258, %swap3A_259] : memref<2702x1024xf32, #tpu.memory_space<vmem>>, vector<100x1024xf32>
    tpu.vector_store %arg3[%swap3A_258, %swap3A_259], %convert_element_type3A_257 {strides = array<i32>} : memref<2702x1024xf32, #tpu.memory_space<vmem>>, vector<100x1024xf32>,
    %add3A_261 = arith.constant 2102 : i32
    %add3A_262 = vector.broadcast %add3A_261 : i32 to vector<100x1024xi32>
    %add3A_263 = arith.addi %iota3A, %add3A_262 : vector<100x1024xi32>
    %get3A_264 = arith.constant 20 : index
    %get3A_265 = arith.constant 0 : index
    %get3A_266 = vector.load %arg2[%get3A_264, %get3A_265] : memref<32x1024xi32, #tpu.memory_space<vmem>>, vector<1x1024xi32>
    %eq3A_267 = vector.broadcast %get3A_266 : vector<1x1024xi32> to vector<100x1024xi32>
    %eq3A_268 = arith.cmpi eq, %add3A_263, %eq3A_267 : vector<100x1024xi32>
    %convert_element_type3A_269 = arith.extui %eq3A_268 : vector<100x1024xi1> to vector<100x1024xi32>
    %convert_element_type3A_270 = arith.sitofp %convert_element_type3A_269 : vector<100x1024xi32> to vector<100x1024xf32>
    %swap3A_271 = arith.constant 2102 : index
    %swap3A_272 = arith.constant 0 : index
    %swap3A_273 = vector.load %arg3[%swap3A_271, %swap3A_272] : memref<2702x1024xf32, #tpu.memory_space<vmem>>, vector<100x1024xf32>
    tpu.vector_store %arg3[%swap3A_271, %swap3A_272], %convert_element_type3A_270 {strides = array<i32>} : memref<2702x1024xf32, #tpu.memory_space<vmem>>, vector<100x1024xf32>,
    %add3A_274 = arith.constant 2202 : i32
    %add3A_275 = vector.broadcast %add3A_274 : i32 to vector<100x1024xi32>
    %add3A_276 = arith.addi %iota3A, %add3A_275 : vector<100x1024xi32>
    %get3A_277 = arith.constant 21 : index
    %get3A_278 = arith.constant 0 : index
    %get3A_279 = vector.load %arg2[%get3A_277, %get3A_278] : memref<32x1024xi32, #tpu.memory_space<vmem>>, vector<1x1024xi32>
    %eq3A_280 = vector.broadcast %get3A_279 : vector<1x1024xi32> to vector<100x1024xi32>
    %eq3A_281 = arith.cmpi eq, %add3A_276, %eq3A_280 : vector<100x1024xi32>
    %convert_element_type3A_282 = arith.extui %eq3A_281 : vector<100x1024xi1> to vector<100x1024xi32>
    %convert_element_type3A_283 = arith.sitofp %convert_element_type3A_282 : vector<100x1024xi32> to vector<100x1024xf32>
    %swap3A_284 = arith.constant 2202 : index
    %swap3A_285 = arith.constant 0 : index
    %swap3A_286 = vector.load %arg3[%swap3A_284, %swap3A_285] : memref<2702x1024xf32, #tpu.memory_space<vmem>>, vector<100x1024xf32>
    tpu.vector_store %arg3[%swap3A_284, %swap3A_285], %convert_element_type3A_283 {strides = array<i32>} : memref<2702x1024xf32, #tpu.memory_space<vmem>>, vector<100x1024xf32>,
    %add3A_287 = arith.constant 2302 : i32
    %add3A_288 = vector.broadcast %add3A_287 : i32 to vector<100x1024xi32>
    %add3A_289 = arith.addi %iota3A, %add3A_288 : vector<100x1024xi32>
    %get3A_290 = arith.constant 22 : index
    %get3A_291 = arith.constant 0 : index
    %get3A_292 = vector.load %arg2[%get3A_290, %get3A_291] : memref<32x1024xi32, #tpu.memory_space<vmem>>, vector<1x1024xi32>
    %eq3A_293 = vector.broadcast %get3A_292 : vector<1x1024xi32> to vector<100x1024xi32>
    %eq3A_294 = arith.cmpi eq, %add3A_289, %eq3A_293 : vector<100x1024xi32>
    %convert_element_type3A_295 = arith.extui %eq3A_294 : vector<100x1024xi1> to vector<100x1024xi32>
    %convert_element_type3A_296 = arith.sitofp %convert_element_type3A_295 : vector<100x1024xi32> to vector<100x1024xf32>
    %swap3A_297 = arith.constant 2302 : index
    %swap3A_298 = arith.constant 0 : index
    %swap3A_299 = vector.load %arg3[%swap3A_297, %swap3A_298] : memref<2702x1024xf32, #tpu.memory_space<vmem>>, vector<100x1024xf32>
    tpu.vector_store %arg3[%swap3A_297, %swap3A_298], %convert_element_type3A_296 {strides = array<i32>} : memref<2702x1024xf32, #tpu.memory_space<vmem>>, vector<100x1024xf32>,
    %add3A_300 = arith.constant 2402 : i32
    %add3A_301 = vector.broadcast %add3A_300 : i32 to vector<100x1024xi32>
    %add3A_302 = arith.addi %iota3A, %add3A_301 : vector<100x1024xi32>
    %get3A_303 = arith.constant 23 : index
    %get3A_304 = arith.constant 0 : index
    %get3A_305 = vector.load %arg2[%get3A_303, %get3A_304] : memref<32x1024xi32, #tpu.memory_space<vmem>>, vector<1x1024xi32>
    %eq3A_306 = vector.broadcast %get3A_305 : vector<1x1024xi32> to vector<100x1024xi32>
    %eq3A_307 = arith.cmpi eq, %add3A_302, %eq3A_306 : vector<100x1024xi32>
    %convert_element_type3A_308 = arith.extui %eq3A_307 : vector<100x1024xi1> to vector<100x1024xi32>
    %convert_element_type3A_309 = arith.sitofp %convert_element_type3A_308 : vector<100x1024xi32> to vector<100x1024xf32>
    %swap3A_310 = arith.constant 2402 : index
    %swap3A_311 = arith.constant 0 : index
    %swap3A_312 = vector.load %arg3[%swap3A_310, %swap3A_311] : memref<2702x1024xf32, #tpu.memory_space<vmem>>, vector<100x1024xf32>
    tpu.vector_store %arg3[%swap3A_310, %swap3A_311], %convert_element_type3A_309 {strides = array<i32>} : memref<2702x1024xf32, #tpu.memory_space<vmem>>, vector<100x1024xf32>,
    %add3A_313 = arith.constant 2502 : i32
    %add3A_314 = vector.broadcast %add3A_313 : i32 to vector<100x1024xi32>
    %add3A_315 = arith.addi %iota3A, %add3A_314 : vector<100x1024xi32>
    %get3A_316 = arith.constant 24 : index
    %get3A_317 = arith.constant 0 : index
    %get3A_318 = vector.load %arg2[%get3A_316, %get3A_317] : memref<32x1024xi32, #tpu.memory_space<vmem>>, vector<1x1024xi32>
    %eq3A_319 = vector.broadcast %get3A_318 : vector<1x1024xi32> to vector<100x1024xi32>
    %eq3A_320 = arith.cmpi eq, %add3A_315, %eq3A_319 : vector<100x1024xi32>
    %convert_element_type3A_321 = arith.extui %eq3A_320 : vector<100x1024xi1> to vector<100x1024xi32>
    %convert_element_type3A_322 = arith.sitofp %convert_element_type3A_321 : vector<100x1024xi32> to vector<100x1024xf32>
    %swap3A_323 = arith.constant 2502 : index
    %swap3A_324 = arith.constant 0 : index
    %swap3A_325 = vector.load %arg3[%swap3A_323, %swap3A_324] : memref<2702x1024xf32, #tpu.memory_space<vmem>>, vector<100x1024xf32>
    tpu.vector_store %arg3[%swap3A_323, %swap3A_324], %convert_element_type3A_322 {strides = array<i32>} : memref<2702x1024xf32, #tpu.memory_space<vmem>>, vector<100x1024xf32>,
    %add3A_326 = arith.constant 2602 : i32
    %add3A_327 = vector.broadcast %add3A_326 : i32 to vector<100x1024xi32>
    %add3A_328 = arith.addi %iota3A, %add3A_327 : vector<100x1024xi32>
    %get3A_329 = arith.constant 25 : index
    %get3A_330 = arith.constant 0 : index
    %get3A_331 = vector.load %arg2[%get3A_329, %get3A_330] : memref<32x1024xi32, #tpu.memory_space<vmem>>, vector<1x1024xi32>
    %eq3A_332 = vector.broadcast %get3A_331 : vector<1x1024xi32> to vector<100x1024xi32>
    %eq3A_333 = arith.cmpi eq, %add3A_328, %eq3A_332 : vector<100x1024xi32>
    %convert_element_type3A_334 = arith.extui %eq3A_333 : vector<100x1024xi1> to vector<100x1024xi32>
    %convert_element_type3A_335 = arith.sitofp %convert_element_type3A_334 : vector<100x1024xi32> to vector<100x1024xf32>
    %swap3A_336 = arith.constant 2602 : index
    %swap3A_337 = arith.constant 0 : index
    %swap3A_338 = vector.load %arg3[%swap3A_336, %swap3A_337] : memref<2702x1024xf32, #tpu.memory_space<vmem>>, vector<100x1024xf32>
    tpu.vector_store %arg3[%swap3A_336, %swap3A_337], %convert_element_type3A_335 {strides = array<i32>} : memref<2702x1024xf32, #tpu.memory_space<vmem>>, vector<100x1024xf32>,
    return
  }
  func.func @transform_0(%arg0: i32) -> (i32, i32) {
    %c0_i32 = arith.constant 0 : i32
    %c0_i32_0 = arith.constant 0 : i32
    return %c0_i32, %arg0 : i32, i32
  }
  func.func @transform_1(%arg0: i32) -> (i32, i32) {
    %c0_i32 = arith.constant 0 : i32
    %c0_i32_0 = arith.constant 0 : i32
    return %c0_i32, %arg0 : i32, i32
  }
  func.func @transform_2(%arg0: i32) -> (i32, i32) {
    %c0_i32 = arith.constant 0 : i32
    %c0_i32_0 = arith.constant 0 : i32
    return %c0_i32, %arg0 : i32, i32
  }
}

</mosaic_0001>

<sc_bundles>
// kernel: kernel.4.cloned.1.call-start
scs
__scs_entry_jumppad:
0x0: {  	(pc) =	sbr.rel $0x88, $3  }
0x1: {  	(tag) =	ssettag $0x0;
	lr =	simm.s32 $0x1  }
0x2: {  	[smem:$0x3FA0] =	sst lr;
	_ =	strace $0xD0000000  }
0x3: {  	_ = 	snop  }
0x4: {  	_ = 	snop  }
0x5: {  	_ = 	snop  }
0x6: {  	_ = 	snop  }
0x7: {  	_ = 	snop  }
__scs_overlays_trampoline_lowered:
0x8: {  	[smem:$0x3FAF] =	sst s0  }
0x9: {  	[smem:$0x3FB0] =	sst s1  }
0xa: {  	[smem:$0x3FB1] =	sst s2  }
0xb: {  	[smem:$0x3FB2] =	sst s3  }
0xc: {  	[smem:$0x3FB3] =	sst s4  }
0xd: {  	[smem:$0x3FB4] =	sst s5  }
0xe: {  	[smem:$0x3FB5] =	sst s6  }
0xf: {  	[smem:$0x3FB6] =	sst s7  }
0x10: {  	[smem:$0x3FB7] =	sst s8  }
0x11: {  	[smem:$0x3FB8] =	sst s9;
	s0 =	simm.s32 @!p0 $0x0  }
0x12: {  	s1 =	sld [smem:$0x3F9E];
	s0 =	simm.s32 @p0 $0x1  }
0x13: {  	[smem:$0x3FB9] =	sst s0;
	s0 =	simm.s32 @!p1 $0x0  }
0x14: {  	s2 =	sld [smem:$0x3F9D];
	s0 =	simm.s32 @p1 $0x1  }
0x15: {  	[smem:$0x3FBA] =	sst s0;
	s0 =	simm.s32 @!p2 $0x0  }
0x16: {  	s3 =	sld [smem:$0x3FDB];
	s0 =	simm.s32 @p2 $0x1  }
0x17: {  	s4 =	simm.s32 $0x1BF5;
	[smem:$0x3FBC] =	sst s0  }
0x18: {  	s0 =	sld [smem:$0x3F9F];
	_ =	swait.ge [sflag:s4], $0x0  }
0x19: {  	s7 =	sld [smem:$0x3FA0]  }
0x1a: {  	s8 =	sadd.s32 $0xFFFFE003, lr  }
0x1b: {  	s9 =	sadd.s32 $0xFFFFFEF7, lr;
	s5 =	simm.s32 $0xFFFFFFFF;
	p2 =	slt.u32 s8, $0xFFFFF086  }
0x1c: {  	p1 =	slt.u32 s9, $0xF7A;
	s5 =	simm.s32 @!p2 $0x0  }
0x1d: {  	s5 =	simm.s32 @p1 $0x1;
	p0 =	seq.s32 s7, s2  }
0x1e: {  	s7 =	smul.u32 @!p0 $0xF7A, s2;
	p2 =	seq.s32 @!p0 s5, $0x0  }
0x1f: {  	s9 =	smul.u32 $0xF7A, s1;
	s8 =	simm.s32 @!p0 $0x1BF5;
	p2 =	por !p2, p0  }
0x20: {  	[sflag:s8] =	ssyncset.s32 @!p0 $0xFFFFF086;
	s6 =	sadd.s32 @!p0 s3, s7;
	s7 =	simm.s32 @!p0 $0x108  }
0x21: {  	s3 =	sadd.s32 s3, s9;
	s6 =	sadd.s32 @!p0 $0x88, s6;
	s7 =	simm.s32 @p2 $0x1082  }
0x22: {  	[simem:s7], [sflag:s8] =	dma.local @!p0 [hbm:s6], $0xF7A  }
0x23: {  	s9 =	sor.u32 $0xD0000000, s2;
	s6 =	simm.s32 $0x108;
	_ =	swait.ge @!p0 [sflag:s8], $0x0  }
0x24: {  	s3 =	sadd.s32 $0x88, s3;
	s6 =	simm.s32 @!p1 $0x1082;
	[sflag:s4] =	ssyncset.s32 $0xFFFFF086  }
0x25: {  	[simem:s6], [sflag:s4] =	dma.local [hbm:s3], $0xF7A  }
0x26: {  	[smem:$0x3FA0] =	sst s1;
	(tag) =	ssettag s2;
	_ =	strace s9  }
0x27: {  	s1 =	sld [smem:$0x3FB0]  }
0x28: {  	s2 =	sld [smem:$0x3FB1]  }
0x29: {  	s4 =	sld [smem:$0x3FB3]  }
0x2a: {  	p0 =	seq.s32 s5, $0x0;
	s5 =	sld [smem:$0x3FB4]  }
0x2b: {  	s6 =	sld [smem:$0x3FB5]  }
0x2c: {  	s7 =	sld [smem:$0x3FB6]  }
0x2d: {  	s3 =	simm.s32 $0x108;
	s8 =	sld [smem:$0x3FB7]  }
0x2e: {  	s3 =	simm.s32 @!p0 $0x1082;
	s9 =	sld [smem:$0x3FB8]  }
0x2f: {  	lr =	sadd.s32 s0, s3;
	s0 =	sld [smem:$0x3FAF]  }
0x30: {  	s3 =	sld [smem:$0x3FB2]  }
0x31: {  	[smem:$0x3FBB] =	sst s10  }
0x32: {  	s10 =	sld [smem:$0x3FB9];
	_ =	sdelay $0x3  }
0x33: {  	p0 =	seq.s32 s10, $0x1;
	s10 =	sld [smem:$0x3FBB];
	_ =	sdelay $0x3  }
0x34: {  	[smem:$0x3FBB] =	sst s10  }
0x35: {  	s10 =	sld [smem:$0x3FBA];
	_ =	sdelay $0x3  }
0x36: {  	p1 =	seq.s32 s10, $0x1;
	s10 =	sld [smem:$0x3FBB];
	_ =	sdelay $0x3  }
0x37: {  	[smem:$0x3FBB] =	sst s10  }
0x38: {  	s10 =	sld [smem:$0x3FBC]  }
0x39: {  	_ = 	snop;
	(pc) =	sbr.ind lr, $3  }
0x3a: {  	_ = 	snop  }
0x3b: {  	_ = 	snop  }
0x3c: {  	p2 =	seq.s32 s10, $0x1;
	s10 =	sld [smem:$0x3FBB]  }
0x3d: {  	_ =	shalt  }
0x3e: {  	_ =	shalt  }
0x3f: {  	_ =	shalt  }
0x40: {  	_ =	shalt  }
0x41: {  	_ =	shalt  }
0x42: {  	_ =	shalt  }
0x43: {  	_ =	shalt  }
0x44: {  	_ =	shalt  }
0x45: {  	_ =	shalt  }
0x46: {  	_ =	shalt  }
0x47: {  	_ =	shalt  }
0x48: {  	_ =	shalt  }
0x49: {  	_ =	shalt  }
0x4a: {  	_ =	shalt  }
0x4b: {  	_ =	shalt  }
0x4c: {  	_ =	shalt  }
0x4d: {  	_ =	shalt  }
0x4e: {  	_ =	shalt  }
0x4f: {  	_ =	shalt  }
0x50: {  	_ =	shalt  }
0x51: {  	_ =	shalt  }
0x52: {  	_ =	shalt  }
0x53: {  	_ =	shalt  }
0x54: {  	_ =	shalt  }
0x55: {  	_ =	shalt  }
0x56: {  	_ =	shalt  }
0x57: {  	_ =	shalt  }
0x58: {  	_ =	shalt  }
0x59: {  	_ =	shalt  }
0x5a: {  	_ =	shalt  }
0x5b: {  	_ =	shalt  }
0x5c: {  	_ =	shalt  }
0x5d: {  	_ =	shalt  }
0x5e: {  	_ =	shalt  }
0x5f: {  	_ =	shalt  }
0x60: {  	_ =	shalt  }
0x61: {  	_ =	shalt  }
0x62: {  	_ =	shalt  }
0x63: {  	_ =	shalt  }
0x64: {  	_ =	shalt  }
0x65: {  	_ =	shalt  }
0x66: {  	_ =	shalt  }
0x67: {  	_ =	shalt  }
0x68: {  	_ =	shalt  }
0x69: {  	_ =	shalt  }
0x6a: {  	_ =	shalt  }
0x6b: {  	_ =	shalt  }
0x6c: {  	_ =	shalt  }
0x6d: {  	_ =	shalt  }
0x6e: {  	_ =	shalt  }
0x6f: {  	_ =	shalt  }
0x70: {  	_ =	shalt  }
0x71: {  	_ =	shalt  }
0x72: {  	_ =	shalt  }
0x73: {  	_ =	shalt  }
0x74: {  	_ =	shalt  }
0x75: {  	_ =	shalt  }
0x76: {  	_ =	shalt  }
0x77: {  	_ =	shalt  }
0x78: {  	_ =	shalt  }
0x79: {  	_ =	shalt  }
0x7a: {  	_ =	shalt  }
0x7b: {  	_ =	shalt  }
0x7c: {  	_ =	shalt  }
0x7d: {  	_ =	shalt  }
0x7e: {  	_ =	shalt  }
0x7f: {  	_ =	shalt  }
0x80: {  	_ =	shalt  }
0x81: {  	_ =	shalt  }
0x82: {  	_ =	shalt  }
0x83: {  	_ =	shalt  }
0x84: {  	_ =	shalt  }
0x85: {  	_ =	shalt  }
0x86: {  	_ =	shalt  }
0x87: {  	_ =	shalt  }
.Lfunc_end0:
.L_simem_size_0:
called_computation_lowered:
.L_overlay_start_0:
0x88: {  	s2 =	sld [smem:$0x3FD9]  }
0x89: {  	s3 =	sld [smem:$0x3FFE];
	_ =	sdelay $0x1  }
0x8a: {  	s1 =	srdreg.scid  }
0x8b: {  	s0 =	sand.u32 $0x1, s1  }
0x8c: {  	s18 =	sshll.u32 s0, $0xA;
	s2 =	sadd.s32 s3, s2  }
0x8d: {  	s2 =	sadd.s32 s2, s18  }
0x8e: {  	[smem:$0x3FC7] =	sst s2  }
0x8f: {  	_ = 	snop  }
0x90: {  	s2 =	sld [smem:$0x3FC9]  }
0x91: {  	s19 =	sld [smem:$0x3FD0];
	(tm) =	ssettm $0x1  }
0x92: {  	s4 =	sld [smem:$0x3FFB];
	_ =	sdelay $0x3  }
0x93: {  	_ =	strace s4  }
0x94: {  	s4 =	sld [smem:$0x3FFC];
	_ =	sdelay $0x3  }
0x95: {  	_ =	strace s4  }
0x96: {  	s4 =	sld [smem:$0x3FFD];
	_ =	sdelay $0x3  }
0x97: {  	_ =	strace s4  }
0x98: {  	_ =	strace $0x8FFFFFFF  }
0x99: {  	s20 =	sld [smem:$0x3FDB];
	_ =	sdelay $0x1  }
0x9a: {  	s5 =	simm.s32 $_scs_section_size  }
0x9b: {  	s6 =	simm.s32 $_size__tile_overlayer_lowered;
	s7 =	simm.s32 $_tile_overlayer_lowered  }
0x9c: {  	s23 =	simm.s32 $0x1BFF;
	s22 =	sshll.u32 s7, $0x1;
	s4 =	sadd.s32 s5, s20  }
0x9d: {  	s8 =	simm.s32 $0x0;
	s21 =	sshll.u32 s6, $0x1;
	s6 =	sadd.s32 s22, s4  }
0x9e: {  	[timem:s8], [sflag:s23] =	dma.local [hbm:s6], s21  }
0x9f: {  	_ =	swait.ge [sflag:s23], s21  }
0xa0: {  	s5 =	ssub.s32 $0x0, s21;
	[sflag:s23] =	ssyncset.done $0x0  }
0xa1: {  	[sflag:s23] =	ssyncadd.s32 s5;
	_ =	sdelay $0x1  }
0xa2: {  	s24 =	simm.s32 $0x1B8B  }
0xa3: {  	_ =	swait.ge [sflag:s24], $0x1  }
0xa4: {  	[sflag:s24] =	ssyncset.done $0x0  }
0xa5: {  	s25 =	simm.s32 $0x1B8E;
	[sflag:s24] =	ssyncadd.s32 $0xFFFFFFFF  }
0xa6: {  	s26 =	simm.s32 $execute0_lowered;
	[smem:$0x3FD2] =	sst s25  }
0xa7: {  	s5 =	sshll.u32 s26, $0x1;
	_ =	strace $0x80000046;
	[dreg:$0x1] =	wrdreg $0xFFFFFFFF  }
0xa8: {  	s28 =	simm.s32 $_size_execute0_lowered;
	s4 =	sadd.s32 s4, s5;
	[dreg:$0x0] =	wrdreg $0x0  }
0xa9: {  	s5 =	sshll.u32 s28, $0x1;
	[dreg:$0x2] =	wrdreg s4  }
0xaa: {  	[dreg:$0x3] =	wrdreg s5  }
0xab: {  	[dreg:$0x4] =	wrdreg $0xC0  }
0xac: {  	_ =	task [dreg:s8], $0x5FFFF  }
0xad: {  	[dreg:$0x1] =	wrdreg $0xFFFFFFFF  }
0xae: {  	[dreg:$0x0] =	wrdreg $0x60  }
0xaf: {  	[dreg:$0x2] =	wrdreg s2  }
0xb0: {  	[dreg:$0x3] =	wrdreg s19  }
0xb1: {  	[dreg:$0x4] =	wrdreg $0x9  }
0xb2: {  	_ =	task.clear_ibuf [dreg:s8], $0x5FFFF;
	_ =	strace $0x90000046  }
0xb3: {  	s29 =	simm.s32 $0x9;
	_ =	strace $0x80000048  }
0xb4: {  	_ =	swait.ge [sflag:s29], $0x1  }
0xb5: {  	[sflag:s29] =	ssyncadd.s32 $0xFFFFFFFF  }
0xb6: {  	_ =	strace $0x90000048  }
0xb7: {  	_ =	sfence  }
0xb8: {  	s30 =	sld [smem:$0x0];
	_ =	sdelay $0x2  }
0xb9: {  	s31 =	sshll.u32 s1, $0xD;
	s1 =	sshrl.u32 s1, $0x2  }
0xba: {  	s3 =	sand.u32 $0x4000, s31;
	s1 =	sadd.s32 s1, s30  }
0xbb: {  	s0 =	sor.u32 s3, s0;
	s1 =	sshll.u32 s1, $0x11  }
0xbc: {  	s0 =	sor.u32 s1, s0  }
0xbd: {  	s0 =	sadd.s32 $0x8F2B, s0  }
0xbe: {  	[sflag:s0] =	ssyncadd.remote.s32 $0x1  }
0xbf: {  	_ =	sfence.sel $0xFFFF  }
0xc0: {  	[dreg:$0x0] =	wrdreg $0xFFFFFFFF;
	(pc) =	sbr.abs _section_cstart, $3  }
0xc1: {  	[dreg:$0x1] =	wrdreg $0xFFFFFFFF  }
0xc2: {  	_ =	task.clear_ibuf [dreg:s8], $0x2FFFF;
	_ =	strace $0x9FFFFFFF  }
0xc3: {  	(tm) =	ssettm $0x7FFFFFFF  }
tec
execute0_lowered:
.L_overlay_start_1:
0x0: {  	(tag) =	ssettag $0x1  }
0x1: {  	s3 =	rddreg [dreg:$0x0]  }
0x2: {  	s4 =	rddreg [dreg:$0x1];
	s1 =	srdreg.scid  }
0x3: {  	s0 =	rddreg [dreg:$0x2];
	s2 =	simm.s32 $0x0;
	s5 =	sand.u32 $0x1, s1  }
0x4: {  	[smem:$0x7FF] =	sst s2;
	s1 =	stileid.u32;
	s6 =	ssub.s32 $0x2, s5  }
0x5: {  	v0 =	vlaneseq.u32;
	s8 =	sshll.u32 s1, $0xE;
	s5 =	sshll.u32 s5, $0xD;
	_ =	strace $0x80000047  }
0x6: {  	v3 =	vmul.u32 $0x64, v0;
	s7 =	sshrl.u32 s6, $0x1;
	s5 =	sor.u32 s5, s8;
	s8 =	simm.s32 $0x0  }
0x7: {  	vm0 =	vmmov $0x3ff;
	s6 =	ssub.s32 s6, s7;
	s3 =	sadd.s32 s3, s5;
	s4 =	sadd.s32 s4, s5  }
0x8: {  	v1 =	vor.u32 $0x10, v0;
	v2 =	vadd.s32 $0x66, v3;
	v3 =	vadd.s32 $0x6A6, v3;
	s7 =	simm.s32 $0x10000;
	s5 =	smax.u32 s6, $0x1;
	s6 =	simm.s32 $0x1  }
.LBB2_1:
0x9: {  	s9 =	simm.s32 $0x0  }
0xa: {  	v4 =	vor.u32 s9, v0  }
0xb: {  	[tilespmem:s2], [sflag:$0x1] =	stream.linear.gather [hbm4b:s3+s2], $0x10000, $0x38;
	v5 =	vor.u32 s9, v1;
	v63 =	vld [tilespmem:$0x0]  }
0xc: {  	_ =	swait.ge [sflag:s6], $0x10000  }
0xd: {  	[sflag:s6] =	ssyncset.done $0x0  }
0xe: {  	[sflag:s6] =	ssyncadd.s32 $0xFFFF0000  }
0xf: {  	v6 =	vld.idx.msk [tilespmem:v4+s2+$0x0], $0xffff  }
0x10: {  	v7 =	vld.idx.msk [tilespmem:v5+s2+$0x0], $0xffff;
	_ =	sdelay $0x4  }
0x11: {  	s10 =	simm.s32 $0x80;
	v8 =	vtrunc.f32 v6;
	v9 =	vtrunc.f32 v7  }
0x12: {  	s9 =	simm.s32 $0x2;
	v6 =	vor.u32 s10, v0;
	v7 =	vcvt.f32.s32 v8;
	v8 =	vcvt.f32.s32 v9  }
.LBB2_2:
0x13: {  	p0 =	sne.s32 s9, $0x1FF;
	v9 =	vor.u32 s10, v1  }
0x14: {  	v7 =	vadd.s32 v2, v7;
	v8 =	vadd.s32 v3, v8  }
0x15: {  	v8 =	vnsel vm0, $0xFFFFFFFF, v8;
	[tilespmem:v4+s7+$0x0] =	vst.idx.msk $0xffff, v7;
	v4 =	vmov v6  }
0x16: {  	[tilespmem:v5+s7+$0x0] =	vst.idx.msk $0xffff, v8;
	v5 =	vmov v9  }
0x17: {  	v6 =	vld.idx.msk [tilespmem:v6+s2+$0x0], $0xffff  }
0x18: {  	v7 =	vld.idx.msk [tilespmem:v9+s2+$0x0], $0xffff;
	_ =	sdelay $0x2  }
.Ltmp0:
0x19: {  	(pc) =	sbr.rel @p0 .LBB2_2-.Ltmp0, $3  }
0x1a: {  	_ =	sdelay $0x1  }
0x1b: {  	s10 =	sshll.u32 s9, $0x7;
	v8 =	vtrunc.f32 v6;
	v9 =	vtrunc.f32 v7  }
0x1c: {  	s9 =	sadd.s32 $0x1, s9;
	v6 =	vor.u32 s10, v0;
	v7 =	vcvt.f32.s32 v8;
	v8 =	vcvt.f32.s32 v9  }
0x1d: {  	_ =	sdelay $0x1  }
0x1e: {  	v9 =	vor.u32 s10, v1  }
0x1f: {  	v7 =	vadd.s32 v2, v7;
	v8 =	vadd.s32 v3, v8  }
0x20: {  	v8 =	vnsel vm0, $0xFFFFFFFF, v8;
	[tilespmem:v4+s7+$0x0] =	vst.idx.msk $0xffff, v7  }
0x21: {  	[tilespmem:v5+s7+$0x0] =	vst.idx.msk $0xffff, v8  }
0x22: {  	v4 =	vld.idx.msk [tilespmem:v6+s2+$0x0], $0xffff  }
0x23: {  	v5 =	vld.idx.msk [tilespmem:v9+s2+$0x0], $0xffff;
	_ =	sdelay $0x4  }
0x24: {  	v4 =	vtrunc.f32 v4;
	v5 =	vtrunc.f32 v5  }
0x25: {  	v4 =	vcvt.f32.s32 v4;
	v5 =	vcvt.f32.s32 v5;
	_ =	sdelay $0x1  }
0x26: {  	s8 =	sadd.s32 $0x1, s8;
	v4 =	vadd.s32 v2, v4;
	v5 =	vadd.s32 v3, v5  }
0x27: {  	p0 =	sne.s32 s8, s5;
	[tilespmem:v6+s7+$0x0] =	vst.idx.msk $0xffff, v4;
	v5 =	vnsel vm0, $0xFFFFFFFF, v5  }
.Ltmp1:
0x28: {  	[tilespmem:v9+s7+$0x0] =	vst.idx.msk $0xffff, v5;
	(pc) =	sbr.rel @p0 .LBB2_1-.Ltmp1, $4  }
0x29: {  	[hbm4b:s4+s2] =	stream.linear.scatter [tilespmem:s7], [sflag:$0x1], $0x10000, $0x38;
	v63 =	vld [tilespmem:$0x0]  }
0x2a: {  	_ =	swait.ge [sflag:s6], $0x10000  }
0x2b: {  	[sflag:s6] =	ssyncset.done $0x0  }
0x2c: {  	[sflag:s6] =	ssyncadd.s32 $0xFFFF0000  }
0x2d: {  	_ =	sfence.sel $0x180000  }
0x2e: {  	[bflag:$0x0] =	sbarrier.arrive $0xFFFF  }
0x2f: {  	p0 =	sne.s32 s1, $0x0;
	_ =	strace $0x90000047  }
0x30: {  	s0 =	sadd.s32 @!p0 $0x100000, s0;
	[bflag:$0x2] =	sbarrier.arrive $0xFFFF  }
0x31: {  	[sflag:s0] =	ssyncadd.tile.s32 @!p0 $0x1;
	_ =	shalt  }
.Lfunc_end2:
_tile_overlayer_lowered:
.L_overlay_start_2:
0x32: {  	(tag) =	ssettag $0x2  }
0x33: {  	s0 =	rddreg [dreg:$0x0];
	s2 =	stileid.u32  }
0x34: {  	s1 =	rddreg [dreg:$0x1];
	p0 =	sne.s32 s2, $0x0  }
0x35: {  	s3 =	rddreg [dreg:$0x2];
	[bflag:$0x3] =	sbarrier.arrive $0xFFFF;
	s2 =	simm.s32 @!p0 $0x1C01  }
0x36: {  	[timem:s3], [sflag:s2] =	dma.local @!p0 [hbm:s0], s1  }
0x37: {  	s0 =	simm.s32 @!p0 $0x1  }
0x38: {  	_ =	swait.ge @!p0 [sflag:s0], s1  }
0x39: {  	s1 =	ssub.s32 @!p0 $0x0, s1;
	[sflag:s0] =	ssyncset.done @!p0 $0x0  }
0x3a: {  	[sflag:s0] =	ssyncadd.s32 @!p0 s1  }
0x3b: {  	[bflag:$0x3] =	sbarrier.arrive $0xFFFF  }
0x3c: {  	_ =	shalt  }

</sc_bundles>
